<compile_context>
chip_gen: v7x
topology: tpu7x:2x2x1
jax: 0.10.2.dev20260603
libtpu: 0.0.44.dev20260713+nightly
codegen_flags: <defaults>
</compile_context>

<pallas_src>
import functools

import jax
import jax.numpy as jnp
from jax import lax
from jax.experimental import pallas as pl
from jax.experimental.pallas import tpu as pltpu, tpu_sc as plsc

_L = 16


def _sc_body(x_hbm, out_hbm, vals_v, row_v, sem, *, img_w, img_h):
    cid = lax.axis_index("c")
    sid = lax.axis_index("s")

    @pl.when((cid == 0) & (sid == 0))
    def _work():
        cp = pltpu.make_async_copy(x_hbm, vals_v, sem)
        cp.start()
        cp.wait()
        lanes = lax.broadcasted_iota(jnp.int32, (_L,), 0)
        lane0 = lanes == 0
        zeros = jnp.zeros((_L,), jnp.float32)

        def lane0_scalar(c):
            return lax.reduce(
                jnp.where(lane0, vals_v[c], zeros), 0.0, lax.add, (0,)
            )

        cx = lane0_scalar(0)
        cy = lane0_scalar(1)
        dw = lane0_scalar(2) * 0.5
        dh = lane0_scalar(3) * 0.5
        score = lane0_scalar(4)
        x1 = jnp.clip(cx - dw, 0.0, img_w)
        y1 = jnp.clip(cy - dh, 0.0, img_h)
        x2 = jnp.clip(cx + dw, 0.0, img_w)
        y2 = jnp.clip(cy + dh, 0.0, img_h)
        row = zeros
        for k, v in enumerate((x1, y1, x2, y2, score)):
            row = jnp.where(lanes == k + 1, v, row)
        row_v[...] = row
        pltpu.make_async_copy(row_v.at[pl.ds(0, 7)], out_hbm.at[0], sem).start()
        pltpu.make_async_copy(row_v.at[pl.ds(0, 7)], out_hbm.at[0], sem).wait()


def kernel(x):
    img_h, img_w = float(x.shape[2]), float(x.shape[3])
    tile = jax.lax.slice(x, (0, 0, 0, 0), (1, 5, 1, _L)).reshape(5, _L)
    body = functools.partial(_sc_body, img_w=img_w, img_h=img_h)
    mesh = plsc.VectorSubcoreMesh(core_axis_name="c", subcore_axis_name="s")
    return pl.kernel(
        body,
        mesh=mesh,
        compiler_params=pltpu.CompilerParams(needs_layout_passes=False),
        out_type=jax.ShapeDtypeStruct((1, 7), jnp.float32),
        scratch_types=[
            pltpu.VMEM((5, _L), jnp.float32),
            pltpu.VMEM((_L,), jnp.float32),
            pltpu.SemaphoreType.DMA,
        ],
    )(tile)

# --- scband reference (transcript-rebuilt; emitter-appended) ---
"""Pipeline reference for scband-ultralytics-trt10-wrapper-6098853560961 (READ-ONLY COPY).

The authoritative reference and input builder live on the scoring server;
editing this copy changes nothing except your own understanding.
"""

import jax, jax.numpy as jnp
import numpy as np

B, C, H, W = 8, 84, 100, 200

def setup_inputs(seed: int = 0) -> dict:
    key = jax.random.key(seed)
    x = jax.random.uniform(key, (B, C, H, W), dtype=jnp.float32)
    return {"x": x}

def _apply_trt10_nms(boxes, scores):
    # Faithful translation of TRT10_NMS_Op.forward: the PyTorch eager path is a
    # dummy that returns zeros((1, 3), int64); the real NMS only exists in the
    # ONNX symbolic graph. We reproduce the eager-mode math exactly.
    indices = jnp.zeros((1, 3), dtype=jnp.int32)
    batch_ids = indices[:, 0]
    class_ids = indices[:, 1]
    box_ids = indices[:, 2]
    det_boxes = boxes[batch_ids, box_ids]                 # gather [1, 4]
    det_scores = scores[batch_ids, class_ids, box_ids]   # gather [1]
    det_batch_ids = batch_ids.astype(jnp.float32)
    det_classes = class_ids.astype(jnp.float32)
    return jnp.stack([det_batch_ids,
                      det_boxes[:, 0], det_boxes[:, 1],
                      det_boxes[:, 2], det_boxes[:, 3],
                      det_scores, det_classes], axis=1)

def reference(x):
    img_h, img_w = x.shape[2], x.shape[3]
    # model = nn.Flatten(start_dim=2): [B, C, H, W] -> [B, C, H*W]
    y = x.reshape(x.shape[0], x.shape[1], x.shape[2] * x.shape[3])
    y = jnp.transpose(y, (0, 2, 1))          # [B, N, 84]
    bboxes_cxcywh = y[:, :, :4]
    scores = y[:, :, 4:]                      # [B, N, 80] (seg=False)
    dw = bboxes_cxcywh[:, :, 2] / 2.0
    dh = bboxes_cxcywh[:, :, 3] / 2.0
    x1 = jnp.clip(bboxes_cxcywh[:, :, 0] - dw, 0.0, float(img_w))
    y1 = jnp.clip(bboxes_cxcywh[:, :, 1] - dh, 0.0, float(img_h))
    x2 = jnp.clip(bboxes_cxcywh[:, :, 0] + dw, 0.0, float(img_w))
    y2 = jnp.clip(bboxes_cxcywh[:, :, 1] + dh, 0.0, float(img_h))
    bboxes_xyxy = jnp.stack([x1, y1, x2, y2], axis=-1)    # [B, N, 4]
    final_scores_transposed = jnp.transpose(scores, (0, 2, 1))  # [B, 80, N]
    return _apply_trt10_nms(bboxes_xyxy, final_scores_transposed)

if __name__ == "__main__":
    import jax
    _d = setup_inputs()
    print(jax.jit(kernel)(*tuple(_d.values())))

</pallas_src>

<mosaic_0001>
#map = affine_map<(d0, d1) -> (0, 0)>
module attributes {stable_mosaic.version = 14 : i64} {
  func.func @_sc_body(%arg0: i32, %arg1: i32, %arg2: memref<5x16xf32, #tpu.memory_space<hbm>>, %arg3: memref<1x7xf32, #tpu.memory_space<hbm>>, %arg4: memref<5x16xf32, #tpu.memory_space<vmem>>, %arg5: memref<16xf32, #tpu.memory_space<vmem>>, %arg6: memref<!tpu.dma_semaphore, #tpu.memory_space<semaphore_mem>>) attributes {dimension_semantics = [#tpu.dimension_semantics<core_parallel>, #tpu.dimension_semantics<subcore_parallel>], iteration_bounds = array<i64: 2, 16>, scalar_prefetch = 0 : i64, scratch_operands = 3 : i64, tpu.core_type = #tpu.core_type<sc_vector_subcore>, window_params = [{transform_indices = #map}, {transform_indices = #map}]} {
    %eq3A = arith.constant 0 : i32
    %eq3A_0 = arith.cmpi eq, %arg0, %eq3A : i32
    %eq3A_1 = arith.constant 0 : i32
    %eq3A_2 = arith.cmpi eq, %arg1, %eq3A_1 : i32
    %and3A = arith.andi %eq3A_0, %eq3A_2 : i1
    %convert_element_type3A = arith.extui %and3A : i1 to i32
    %cond3A = arith.constant 0 : i32
    %cond3A_3 = arith.cmpi ne, %convert_element_type3A, %cond3A : i32
    scf.if %cond3A_3 {
      tpu.enqueue_dma source(%arg2 : memref<5x16xf32, #tpu.memory_space<hbm>>) target(%arg4 : memref<5x16xf32, #tpu.memory_space<vmem>>) target_semaphore(%arg6 : memref<!tpu.dma_semaphore, #tpu.memory_space<semaphore_mem>>)
      tpu.wait_dma2 semaphore(%arg6 : memref<!tpu.dma_semaphore, #tpu.memory_space<semaphore_mem>>) src(%arg2 : memref<5x16xf32, #tpu.memory_space<hbm>>) dst(%arg4 : memref<5x16xf32, #tpu.memory_space<vmem>>)
      %iota3A = tpu.iota {dimensions = array<i32: 0>} : vector<16xi32>
      %eq3A_4 = arith.constant 0 : i32
      %eq3A_5 = vector.broadcast %eq3A_4 : i32 to vector<16xi32>
      %eq3A_6 = arith.cmpi eq, %iota3A, %eq3A_5 : vector<16xi32>
      %broadcast_in_dim3A = arith.constant 0.000000e+00 : f32
      %broadcast_in_dim3A_7 = vector.broadcast %broadcast_in_dim3A : f32 to vector<16xf32>
      %get3A = arith.constant 0 : i32
      %get3A_8 = arith.index_cast %get3A : i32 to index
      %get3A_9 = arith.constant 0 : index
      %get3A_10 = tpu.vector_load %arg4[%get3A_8, %get3A_9] {strides = array<i32>} : memref<5x16xf32, #tpu.memory_space<vmem>>, vector<16xf32>,
      %select_n3A = arith.select %eq3A_6, %get3A_10, %broadcast_in_dim3A_7 : vector<16xi1>, vector<16xf32>
      %reduce_sum3A = arith.constant true
      %reduce_sum3A_11 = vector.broadcast %reduce_sum3A : i1 to vector<16xi1>
      %reduce_sum3A_12 = tpu.scan <sum>, %select_n3A masked %reduce_sum3A_11 : vector<16xf32>, vector<16xi1> -> vector<16xf32>
      %reduce_sum3A_13 = vector.extract %reduce_sum3A_12[15] : f32 from vector<16xf32>
      %get3A_14 = arith.constant 1 : i32
      %get3A_15 = arith.index_cast %get3A_14 : i32 to index
      %get3A_16 = arith.constant 0 : index
      %get3A_17 = tpu.vector_load %arg4[%get3A_15, %get3A_16] {strides = array<i32>} : memref<5x16xf32, #tpu.memory_space<vmem>>, vector<16xf32>,
      %select_n3A_18 = arith.select %eq3A_6, %get3A_17, %broadcast_in_dim3A_7 : vector<16xi1>, vector<16xf32>
      %reduce_sum3A_19 = arith.constant true
      %reduce_sum3A_20 = vector.broadcast %reduce_sum3A_19 : i1 to vector<16xi1>
      %reduce_sum3A_21 = tpu.scan <sum>, %select_n3A_18 masked %reduce_sum3A_20 : vector<16xf32>, vector<16xi1> -> vector<16xf32>
      %reduce_sum3A_22 = vector.extract %reduce_sum3A_21[15] : f32 from vector<16xf32>
      %get3A_23 = arith.constant 2 : i32
      %get3A_24 = arith.index_cast %get3A_23 : i32 to index
      %get3A_25 = arith.constant 0 : index
      %get3A_26 = tpu.vector_load %arg4[%get3A_24, %get3A_25] {strides = array<i32>} : memref<5x16xf32, #tpu.memory_space<vmem>>, vector<16xf32>,
      %select_n3A_27 = arith.select %eq3A_6, %get3A_26, %broadcast_in_dim3A_7 : vector<16xi1>, vector<16xf32>
      %reduce_sum3A_28 = arith.constant true
      %reduce_sum3A_29 = vector.broadcast %reduce_sum3A_28 : i1 to vector<16xi1>
      %reduce_sum3A_30 = tpu.scan <sum>, %select_n3A_27 masked %reduce_sum3A_29 : vector<16xf32>, vector<16xi1> -> vector<16xf32>
      %reduce_sum3A_31 = vector.extract %reduce_sum3A_30[15] : f32 from vector<16xf32>
      %mul3A = arith.constant 5.000000e-01 : f32
      %mul3A_32 = arith.mulf %reduce_sum3A_31, %mul3A : f32
      %get3A_33 = arith.constant 3 : i32
      %get3A_34 = arith.index_cast %get3A_33 : i32 to index
      %get3A_35 = arith.constant 0 : index
      %get3A_36 = tpu.vector_load %arg4[%get3A_34, %get3A_35] {strides = array<i32>} : memref<5x16xf32, #tpu.memory_space<vmem>>, vector<16xf32>,
      %select_n3A_37 = arith.select %eq3A_6, %get3A_36, %broadcast_in_dim3A_7 : vector<16xi1>, vector<16xf32>
      %reduce_sum3A_38 = arith.constant true
      %reduce_sum3A_39 = vector.broadcast %reduce_sum3A_38 : i1 to vector<16xi1>
      %reduce_sum3A_40 = tpu.scan <sum>, %select_n3A_37 masked %reduce_sum3A_39 : vector<16xf32>, vector<16xi1> -> vector<16xf32>
      %reduce_sum3A_41 = vector.extract %reduce_sum3A_40[15] : f32 from vector<16xf32>
      %mul3A_42 = arith.constant 5.000000e-01 : f32
      %mul3A_43 = arith.mulf %reduce_sum3A_41, %mul3A_42 : f32
      %get3A_44 = arith.constant 4 : i32
      %get3A_45 = arith.index_cast %get3A_44 : i32 to index
      %get3A_46 = arith.constant 0 : index
      %get3A_47 = tpu.vector_load %arg4[%get3A_45, %get3A_46] {strides = array<i32>} : memref<5x16xf32, #tpu.memory_space<vmem>>, vector<16xf32>,
      %select_n3A_48 = arith.select %eq3A_6, %get3A_47, %broadcast_in_dim3A_7 : vector<16xi1>, vector<16xf32>
      %reduce_sum3A_49 = arith.constant true
      %reduce_sum3A_50 = vector.broadcast %reduce_sum3A_49 : i1 to vector<16xi1>
      %reduce_sum3A_51 = tpu.scan <sum>, %select_n3A_48 masked %reduce_sum3A_50 : vector<16xf32>, vector<16xi1> -> vector<16xf32>
      %reduce_sum3A_52 = vector.extract %reduce_sum3A_51[15] : f32 from vector<16xf32>
      %sub3A = arith.subf %reduce_sum3A_13, %mul3A_32 : f32
      %jit3A = arith.constant 0.000000e+00 : f32
      %jit3A_53 = arith.constant 2.000000e+02 : f32
      %max3A = arith.maximumf %jit3A, %sub3A : f32
      %min3A = arith.minimumf %jit3A_53, %max3A : f32
      %sub3A_54 = arith.subf %reduce_sum3A_22, %mul3A_43 : f32
      %jit3A_55 = arith.constant 0.000000e+00 : f32
      %jit3A_56 = arith.constant 1.000000e+02 : f32
      %max3A_57 = arith.maximumf %jit3A_55, %sub3A_54 : f32
      %min3A_58 = arith.minimumf %jit3A_56, %max3A_57 : f32
      %add3A = arith.addf %reduce_sum3A_13, %mul3A_32 : f32
      %jit3A_59 = arith.constant 0.000000e+00 : f32
      %jit3A_60 = arith.constant 2.000000e+02 : f32
      %max3A_61 = arith.maximumf %jit3A_59, %add3A : f32
      %min3A_62 = arith.minimumf %jit3A_60, %max3A_61 : f32
      %add3A_63 = arith.addf %reduce_sum3A_22, %mul3A_43 : f32
      %jit3A_64 = arith.constant 0.000000e+00 : f32
      %jit3A_65 = arith.constant 1.000000e+02 : f32
      %max3A_66 = arith.maximumf %jit3A_64, %add3A_63 : f32
      %min3A_67 = arith.minimumf %jit3A_65, %max3A_66 : f32
      %eq3A_68 = arith.constant 1 : i32
      %eq3A_69 = vector.broadcast %eq3A_68 : i32 to vector<16xi32>
      %eq3A_70 = arith.cmpi eq, %iota3A, %eq3A_69 : vector<16xi32>
      %broadcast_in_dim3A_71 = vector.broadcast %min3A : f32 to vector<16xf32>
      %select_n3A_72 = arith.select %eq3A_70, %broadcast_in_dim3A_71, %broadcast_in_dim3A_7 : vector<16xi1>, vector<16xf32>
      %eq3A_73 = arith.constant 2 : i32
      %eq3A_74 = vector.broadcast %eq3A_73 : i32 to vector<16xi32>
      %eq3A_75 = arith.cmpi eq, %iota3A, %eq3A_74 : vector<16xi32>
      %broadcast_in_dim3A_76 = vector.broadcast %min3A_58 : f32 to vector<16xf32>
      %select_n3A_77 = arith.select %eq3A_75, %broadcast_in_dim3A_76, %select_n3A_72 : vector<16xi1>, vector<16xf32>
      %eq3A_78 = arith.constant 3 : i32
      %eq3A_79 = vector.broadcast %eq3A_78 : i32 to vector<16xi32>
      %eq3A_80 = arith.cmpi eq, %iota3A, %eq3A_79 : vector<16xi32>
      %broadcast_in_dim3A_81 = vector.broadcast %min3A_62 : f32 to vector<16xf32>
      %select_n3A_82 = arith.select %eq3A_80, %broadcast_in_dim3A_81, %select_n3A_77 : vector<16xi1>, vector<16xf32>
      %eq3A_83 = arith.constant 4 : i32
      %eq3A_84 = vector.broadcast %eq3A_83 : i32 to vector<16xi32>
      %eq3A_85 = arith.cmpi eq, %iota3A, %eq3A_84 : vector<16xi32>
      %broadcast_in_dim3A_86 = vector.broadcast %min3A_67 : f32 to vector<16xf32>
      %select_n3A_87 = arith.select %eq3A_85, %broadcast_in_dim3A_86, %select_n3A_82 : vector<16xi1>, vector<16xf32>
      %eq3A_88 = arith.constant 5 : i32
      %eq3A_89 = vector.broadcast %eq3A_88 : i32 to vector<16xi32>
      %eq3A_90 = arith.cmpi eq, %iota3A, %eq3A_89 : vector<16xi32>
      %broadcast_in_dim3A_91 = vector.broadcast %reduce_sum3A_52 : f32 to vector<16xf32>
      %select_n3A_92 = arith.select %eq3A_90, %broadcast_in_dim3A_91, %select_n3A_87 : vector<16xi1>, vector<16xf32>
      %swap3A = arith.constant 0 : index
      %swap3A_93 = tpu.vector_load %arg5[%swap3A] {strides = array<i32>} : memref<16xf32, #tpu.memory_space<vmem>>, vector<16xf32>,
      tpu.vector_store %arg5[%swap3A], %select_n3A_92 {strides = array<i32>} : memref<16xf32, #tpu.memory_space<vmem>>, vector<16xf32>,
      %dma_start3A = arith.constant 0 : i32
      %dma_start3A_94 = arith.constant 0 : i32
      %dma_start3A_95 = tpu.memref_slice %arg5[%dma_start3A_94] : memref<16xf32, #tpu.memory_space<vmem>> -> memref<7xf32, #tpu.memory_space<vmem>>
      %dma_start3A_96 = arith.constant 0 : i32
      %dma_start3A_97 = tpu.memref_slice %arg3[%dma_start3A, %dma_start3A_96] : memref<1x7xf32, #tpu.memory_space<hbm>> -> memref<1x7xf32, #tpu.memory_space<hbm>>
      %dma_start3A_98 = tpu.memref_squeeze %dma_start3A_97 : memref<1x7xf32, #tpu.memory_space<hbm>> -> memref<7xf32, #tpu.memory_space<hbm>>
      %dma_start3A_99 = arith.constant 0 : i32
      %dma_start3A_100 = tpu.memref_slice %arg3[%dma_start3A, %dma_start3A_99] : memref<1x7xf32, #tpu.memory_space<hbm>> -> memref<1x7xf32, #tpu.memory_space<hbm>>
      %dma_start3A_101 = tpu.memref_squeeze %dma_start3A_100 : memref<1x7xf32, #tpu.memory_space<hbm>> -> memref<7xf32, #tpu.memory_space<hbm>>
      %dma_start3A_102 = arith.constant 0 : i32
      %dma_start3A_103 = tpu.memref_slice %arg5[%dma_start3A_102] : memref<16xf32, #tpu.memory_space<vmem>> -> memref<7xf32, #tpu.memory_space<vmem>>
      tpu.enqueue_dma source(%dma_start3A_103 : memref<7xf32, #tpu.memory_space<vmem>>) target(%dma_start3A_101 : memref<7xf32, #tpu.memory_space<hbm>>) target_semaphore(%arg6 : memref<!tpu.dma_semaphore, #tpu.memory_space<semaphore_mem>>)
      %dma_wait3A = arith.constant 0 : i32
      %dma_wait3A_104 = arith.constant 0 : i32
      %dma_wait3A_105 = tpu.memref_slice %arg5[%dma_wait3A_104] : memref<16xf32, #tpu.memory_space<vmem>> -> memref<7xf32, #tpu.memory_space<vmem>>
      %dma_wait3A_106 = arith.constant 0 : i32
      %dma_wait3A_107 = tpu.memref_slice %arg3[%dma_wait3A, %dma_wait3A_106] : memref<1x7xf32, #tpu.memory_space<hbm>> -> memref<1x7xf32, #tpu.memory_space<hbm>>
      %dma_wait3A_108 = tpu.memref_squeeze %dma_wait3A_107 : memref<1x7xf32, #tpu.memory_space<hbm>> -> memref<7xf32, #tpu.memory_space<hbm>>
      %dma_wait3A_109 = arith.constant 0 : i32
      %dma_wait3A_110 = tpu.memref_slice %arg3[%dma_wait3A, %dma_wait3A_109] : memref<1x7xf32, #tpu.memory_space<hbm>> -> memref<1x7xf32, #tpu.memory_space<hbm>>
      %dma_wait3A_111 = tpu.memref_squeeze %dma_wait3A_110 : memref<1x7xf32, #tpu.memory_space<hbm>> -> memref<7xf32, #tpu.memory_space<hbm>>
      %dma_wait3A_112 = arith.constant 0 : i32
      %dma_wait3A_113 = tpu.memref_slice %arg5[%dma_wait3A_112] : memref<16xf32, #tpu.memory_space<vmem>> -> memref<7xf32, #tpu.memory_space<vmem>>
      tpu.wait_dma2 semaphore(%arg6 : memref<!tpu.dma_semaphore, #tpu.memory_space<semaphore_mem>>) src(%dma_wait3A_113 : memref<7xf32, #tpu.memory_space<vmem>>) dst(%dma_wait3A_111 : memref<7xf32, #tpu.memory_space<hbm>>)
    } else {
    }
    return
  }
}

</mosaic_0001>

<sc_bundles>
// kernel: kernel.3.cloned.1.call-start
scs
__scs_entry_jumppad:
0x0: {  	(pc) =	sbr.rel $0x88, $3  }
0x1: {  	(tag) =	ssettag $0x0;
	lr =	simm.s32 $0x1  }
0x2: {  	[smem:$0x3FA0] =	sst lr;
	_ =	strace $0xD0000000  }
0x3: {  	_ = 	snop  }
0x4: {  	_ = 	snop  }
0x5: {  	_ = 	snop  }
0x6: {  	_ = 	snop  }
0x7: {  	_ = 	snop  }
__scs_overlays_trampoline_lowered:
0x8: {  	[smem:$0x3FAF] =	sst s0  }
0x9: {  	[smem:$0x3FB0] =	sst s1  }
0xa: {  	[smem:$0x3FB1] =	sst s2  }
0xb: {  	[smem:$0x3FB2] =	sst s3  }
0xc: {  	[smem:$0x3FB3] =	sst s4  }
0xd: {  	[smem:$0x3FB4] =	sst s5  }
0xe: {  	[smem:$0x3FB5] =	sst s6  }
0xf: {  	[smem:$0x3FB6] =	sst s7  }
0x10: {  	[smem:$0x3FB7] =	sst s8  }
0x11: {  	[smem:$0x3FB8] =	sst s9;
	s0 =	simm.s32 @!p0 $0x0  }
0x12: {  	s1 =	sld [smem:$0x3F9E];
	s0 =	simm.s32 @p0 $0x1  }
0x13: {  	[smem:$0x3FB9] =	sst s0;
	s0 =	simm.s32 @!p1 $0x0  }
0x14: {  	s2 =	sld [smem:$0x3F9D];
	s0 =	simm.s32 @p1 $0x1  }
0x15: {  	[smem:$0x3FBA] =	sst s0;
	s0 =	simm.s32 @!p2 $0x0  }
0x16: {  	s3 =	sld [smem:$0x3FDB];
	s0 =	simm.s32 @p2 $0x1  }
0x17: {  	s4 =	simm.s32 $0x1BF5;
	[smem:$0x3FBC] =	sst s0  }
0x18: {  	s0 =	sld [smem:$0x3F9F];
	_ =	swait.ge [sflag:s4], $0x0  }
0x19: {  	s7 =	sld [smem:$0x3FA0]  }
0x1a: {  	s8 =	sadd.s32 $0xFFFFE003, lr  }
0x1b: {  	s9 =	sadd.s32 $0xFFFFFEF7, lr;
	s5 =	simm.s32 $0xFFFFFFFF;
	p2 =	slt.u32 s8, $0xFFFFF086  }
0x1c: {  	p1 =	slt.u32 s9, $0xF7A;
	s5 =	simm.s32 @!p2 $0x0  }
0x1d: {  	s5 =	simm.s32 @p1 $0x1;
	p0 =	seq.s32 s7, s2  }
0x1e: {  	s7 =	smul.u32 @!p0 $0xF7A, s2;
	p2 =	seq.s32 @!p0 s5, $0x0  }
0x1f: {  	s9 =	smul.u32 $0xF7A, s1;
	s8 =	simm.s32 @!p0 $0x1BF5;
	p2 =	por !p2, p0  }
0x20: {  	[sflag:s8] =	ssyncset.s32 @!p0 $0xFFFFF086;
	s6 =	sadd.s32 @!p0 s3, s7;
	s7 =	simm.s32 @!p0 $0x108  }
0x21: {  	s3 =	sadd.s32 s3, s9;
	s6 =	sadd.s32 @!p0 $0x88, s6;
	s7 =	simm.s32 @p2 $0x1082  }
0x22: {  	[simem:s7], [sflag:s8] =	dma.local @!p0 [hbm:s6], $0xF7A  }
0x23: {  	s9 =	sor.u32 $0xD0000000, s2;
	s6 =	simm.s32 $0x108;
	_ =	swait.ge @!p0 [sflag:s8], $0x0  }
0x24: {  	s3 =	sadd.s32 $0x88, s3;
	s6 =	simm.s32 @!p1 $0x1082;
	[sflag:s4] =	ssyncset.s32 $0xFFFFF086  }
0x25: {  	[simem:s6], [sflag:s4] =	dma.local [hbm:s3], $0xF7A  }
0x26: {  	[smem:$0x3FA0] =	sst s1;
	(tag) =	ssettag s2;
	_ =	strace s9  }
0x27: {  	s1 =	sld [smem:$0x3FB0]  }
0x28: {  	s2 =	sld [smem:$0x3FB1]  }
0x29: {  	s4 =	sld [smem:$0x3FB3]  }
0x2a: {  	p0 =	seq.s32 s5, $0x0;
	s5 =	sld [smem:$0x3FB4]  }
0x2b: {  	s6 =	sld [smem:$0x3FB5]  }
0x2c: {  	s7 =	sld [smem:$0x3FB6]  }
0x2d: {  	s3 =	simm.s32 $0x108;
	s8 =	sld [smem:$0x3FB7]  }
0x2e: {  	s3 =	simm.s32 @!p0 $0x1082;
	s9 =	sld [smem:$0x3FB8]  }
0x2f: {  	lr =	sadd.s32 s0, s3;
	s0 =	sld [smem:$0x3FAF]  }
0x30: {  	s3 =	sld [smem:$0x3FB2]  }
0x31: {  	[smem:$0x3FBB] =	sst s10  }
0x32: {  	s10 =	sld [smem:$0x3FB9];
	_ =	sdelay $0x3  }
0x33: {  	p0 =	seq.s32 s10, $0x1;
	s10 =	sld [smem:$0x3FBB];
	_ =	sdelay $0x3  }
0x34: {  	[smem:$0x3FBB] =	sst s10  }
0x35: {  	s10 =	sld [smem:$0x3FBA];
	_ =	sdelay $0x3  }
0x36: {  	p1 =	seq.s32 s10, $0x1;
	s10 =	sld [smem:$0x3FBB];
	_ =	sdelay $0x3  }
0x37: {  	[smem:$0x3FBB] =	sst s10  }
0x38: {  	s10 =	sld [smem:$0x3FBC]  }
0x39: {  	_ = 	snop;
	(pc) =	sbr.ind lr, $3  }
0x3a: {  	_ = 	snop  }
0x3b: {  	_ = 	snop  }
0x3c: {  	p2 =	seq.s32 s10, $0x1;
	s10 =	sld [smem:$0x3FBB]  }
0x3d: {  	_ =	shalt  }
0x3e: {  	_ =	shalt  }
0x3f: {  	_ =	shalt  }
0x40: {  	_ =	shalt  }
0x41: {  	_ =	shalt  }
0x42: {  	_ =	shalt  }
0x43: {  	_ =	shalt  }
0x44: {  	_ =	shalt  }
0x45: {  	_ =	shalt  }
0x46: {  	_ =	shalt  }
0x47: {  	_ =	shalt  }
0x48: {  	_ =	shalt  }
0x49: {  	_ =	shalt  }
0x4a: {  	_ =	shalt  }
0x4b: {  	_ =	shalt  }
0x4c: {  	_ =	shalt  }
0x4d: {  	_ =	shalt  }
0x4e: {  	_ =	shalt  }
0x4f: {  	_ =	shalt  }
0x50: {  	_ =	shalt  }
0x51: {  	_ =	shalt  }
0x52: {  	_ =	shalt  }
0x53: {  	_ =	shalt  }
0x54: {  	_ =	shalt  }
0x55: {  	_ =	shalt  }
0x56: {  	_ =	shalt  }
0x57: {  	_ =	shalt  }
0x58: {  	_ =	shalt  }
0x59: {  	_ =	shalt  }
0x5a: {  	_ =	shalt  }
0x5b: {  	_ =	shalt  }
0x5c: {  	_ =	shalt  }
0x5d: {  	_ =	shalt  }
0x5e: {  	_ =	shalt  }
0x5f: {  	_ =	shalt  }
0x60: {  	_ =	shalt  }
0x61: {  	_ =	shalt  }
0x62: {  	_ =	shalt  }
0x63: {  	_ =	shalt  }
0x64: {  	_ =	shalt  }
0x65: {  	_ =	shalt  }
0x66: {  	_ =	shalt  }
0x67: {  	_ =	shalt  }
0x68: {  	_ =	shalt  }
0x69: {  	_ =	shalt  }
0x6a: {  	_ =	shalt  }
0x6b: {  	_ =	shalt  }
0x6c: {  	_ =	shalt  }
0x6d: {  	_ =	shalt  }
0x6e: {  	_ =	shalt  }
0x6f: {  	_ =	shalt  }
0x70: {  	_ =	shalt  }
0x71: {  	_ =	shalt  }
0x72: {  	_ =	shalt  }
0x73: {  	_ =	shalt  }
0x74: {  	_ =	shalt  }
0x75: {  	_ =	shalt  }
0x76: {  	_ =	shalt  }
0x77: {  	_ =	shalt  }
0x78: {  	_ =	shalt  }
0x79: {  	_ =	shalt  }
0x7a: {  	_ =	shalt  }
0x7b: {  	_ =	shalt  }
0x7c: {  	_ =	shalt  }
0x7d: {  	_ =	shalt  }
0x7e: {  	_ =	shalt  }
0x7f: {  	_ =	shalt  }
0x80: {  	_ =	shalt  }
0x81: {  	_ =	shalt  }
0x82: {  	_ =	shalt  }
0x83: {  	_ =	shalt  }
0x84: {  	_ =	shalt  }
0x85: {  	_ =	shalt  }
0x86: {  	_ =	shalt  }
0x87: {  	_ =	shalt  }
.Lfunc_end0:
.L_simem_size_0:
called_computation_lowered:
.L_overlay_start_0:
0x88: {  	s2 =	sld [smem:$0x3FD9]  }
0x89: {  	s3 =	sld [smem:$0x3FFE];
	_ =	sdelay $0x1  }
0x8a: {  	s1 =	srdreg.scid  }
0x8b: {  	s0 =	sand.u32 $0x1, s1  }
0x8c: {  	s17 =	sshll.u32 s0, $0xA;
	s2 =	sadd.s32 s3, s2  }
0x8d: {  	s2 =	sadd.s32 s2, s17  }
0x8e: {  	[smem:$0x3FC7] =	sst s2  }
0x8f: {  	_ = 	snop  }
0x90: {  	s2 =	sld [smem:$0x3FD0];
	(tm) =	ssettm $0x1  }
0x91: {  	s18 =	sld [smem:$0x3FFB];
	_ =	sdelay $0x3  }
0x92: {  	_ =	strace s18  }
0x93: {  	s3 =	sld [smem:$0x3FFC];
	_ =	sdelay $0x3  }
0x94: {  	_ =	strace s3  }
0x95: {  	s3 =	sld [smem:$0x3FFD];
	_ =	sdelay $0x3  }
0x96: {  	_ =	strace s3  }
0x97: {  	_ =	strace $0x8FFFFFFF  }
0x98: {  	s19 =	sld [smem:$0x3FDB];
	_ =	sdelay $0x1  }
0x99: {  	s4 =	simm.s32 $_scs_section_size  }
0x9a: {  	s5 =	simm.s32 $_size__tile_overlayer_lowered;
	s6 =	simm.s32 $_tile_overlayer_lowered  }
0x9b: {  	s22 =	simm.s32 $0x1BFF;
	s21 =	sshll.u32 s6, $0x1;
	s3 =	sadd.s32 s4, s19  }
0x9c: {  	s7 =	simm.s32 $0x0;
	s20 =	sshll.u32 s5, $0x1;
	s5 =	sadd.s32 s21, s3  }
0x9d: {  	[timem:s7], [sflag:s22] =	dma.local [hbm:s5], s20  }
0x9e: {  	_ =	swait.ge [sflag:s22], s20  }
0x9f: {  	s4 =	ssub.s32 $0x0, s20;
	[sflag:s22] =	ssyncset.done $0x0  }
0xa0: {  	[sflag:s22] =	ssyncadd.s32 s4;
	_ =	sdelay $0x1  }
0xa1: {  	s23 =	simm.s32 $0x1B8B  }
0xa2: {  	_ =	swait.ge [sflag:s23], $0x1  }
0xa3: {  	[sflag:s23] =	ssyncset.done $0x0  }
0xa4: {  	s25 =	simm.s32 $0x1B8E;
	s24 =	sld [smem:$0x3FFE];
	[sflag:s23] =	ssyncadd.s32 $0xFFFFFFFF  }
0xa5: {  	s26 =	simm.s32 $execute0_lowered;
	[smem:$0x3FD2] =	sst s25  }
0xa6: {  	s5 =	sshll.u32 s26, $0x1;
	_ =	strace $0x80000046;
	[dreg:$0x1] =	wrdreg $0xFFFFFFFF  }
0xa7: {  	s28 =	simm.s32 $_size_execute0_lowered;
	s3 =	sadd.s32 s3, s5;
	[dreg:$0x0] =	wrdreg $0x0  }
0xa8: {  	s5 =	sshll.u32 s28, $0x1;
	[dreg:$0x2] =	wrdreg s3  }
0xa9: {  	[dreg:$0x3] =	wrdreg s5  }
0xaa: {  	[dreg:$0x4] =	wrdreg $0xC0  }
0xab: {  	_ =	task [dreg:s7], $0x5FFFF  }
0xac: {  	[dreg:$0x1] =	wrdreg $0xFFFFFFFF  }
0xad: {  	[dreg:$0x0] =	wrdreg $0x60  }
0xae: {  	[dreg:$0x2] =	wrdreg s24  }
0xaf: {  	[dreg:$0x3] =	wrdreg s2  }
0xb0: {  	[dreg:$0x4] =	wrdreg $0x9  }
0xb1: {  	_ =	task.clear_ibuf [dreg:s7], $0x5FFFF;
	_ =	strace $0x90000046  }
0xb2: {  	s29 =	simm.s32 $0x9;
	_ =	strace $0x80000048  }
0xb3: {  	_ =	swait.ge [sflag:s29], $0x1  }
0xb4: {  	[sflag:s29] =	ssyncadd.s32 $0xFFFFFFFF  }
0xb5: {  	_ =	strace $0x90000048  }
0xb6: {  	_ =	sfence  }
0xb7: {  	s30 =	sld [smem:$0x0];
	_ =	sdelay $0x2  }
0xb8: {  	s31 =	sshll.u32 s1, $0xD;
	s1 =	sshrl.u32 s1, $0x2  }
0xb9: {  	s3 =	sand.u32 $0x4000, s31;
	s1 =	sadd.s32 s1, s30  }
0xba: {  	s0 =	sor.u32 s3, s0;
	s1 =	sshll.u32 s1, $0x11  }
0xbb: {  	s0 =	sor.u32 s1, s0  }
0xbc: {  	s0 =	sadd.s32 $0x8F2B, s0  }
0xbd: {  	[sflag:s0] =	ssyncadd.remote.s32 $0x1  }
0xbe: {  	_ =	sfence.sel $0xFFFF  }
0xbf: {  	[dreg:$0x0] =	wrdreg $0xFFFFFFFF;
	(pc) =	sbr.abs _section_cstart, $3  }
0xc0: {  	[dreg:$0x1] =	wrdreg $0xFFFFFFFF  }
0xc1: {  	_ =	task.clear_ibuf [dreg:s7], $0x2FFFF;
	_ =	strace $0x9FFFFFFF  }
0xc2: {  	(tm) =	ssettm $0x7FFFFFFF  }
0xc3: {  	_ =	shalt  }
tec
execute0_lowered:
.L_overlay_start_1:
0x0: {  	(tag) =	ssettag $0x1  }
0x1: {  	s0 =	srdreg.scid  }
0x2: {  	s6 =	sand.u32 $0x1, s0;
	s0 =	stileid.u32  }
0x3: {  	s4 =	sor.u32 s0, s6  }
0x4: {  	p0 =	sne.s32 s4, $0x0  }
.Ltmp0:
0x5: {  	_ = 	snop;
	(pc) =	sbr.rel @p0 .LBB2_4-.Ltmp0, $4  }
0x6: {  	_ = 	snop  }
0x7: {  	s3 =	rddreg [dreg:$0x0]  }
0x8: {  	s2 =	rddreg [dreg:$0x1]  }
0x9: {  	s1 =	rddreg [dreg:$0x2];
	_ =	strace $0x80000047  }
0xa: {  	s5 =	sadd.s32 $0x400, s3;
	s4 =	simm.s32 $0x0;
	s3 =	simm.s32 $0x1  }
0xb: {  	[tilespmem:s4], [sflag:$0x1] =	stream.linear.gather [hbm4b:s5+s4], $0x280, $0x38;
	[tilespmem:$0x480] =	vst v63  }
0xc: {  	_ =	swait.ge [sflag:s3], $0x280  }
0xd: {  	[sflag:s3] =	ssyncset.done $0x0  }
0xe: {  	[sflag:s3] =	ssyncadd.s32 $0xFFFFFD80  }
0xf: {  	v0 =	vld [tilespmem:$0x0]  }
0x10: {  	v1 =	vld [tilespmem:$0x100]  }
0x11: {  	v2 =	vld [tilespmem:$0x180];
	_ =	sdelay $0x1  }
0x12: {  	vm0 =	vmmov $0x1  }
0x13: {  	v3 =	vld [tilespmem:$0x80];
	v0 =	vnsel vm0, $0x0, v0  }
0x14: {  	(xrf2) =	vadd.scan.msk.f32 $0xffff, v0;
	v0 =	vnsel vm0, $0x0, v1  }
0x15: {  	v1 =	vnsel vm0, $0x0, v2;
	(xrf2) =	vadd.scan.msk.f32 $0xffff, v0  }
0x16: {  	v4 =	vld [tilespmem:$0x200];
	(xrf2) =	vadd.scan.msk.f32 $0xffff, v1;
	_ =	sdelay $0x1  }
0x17: {  	v0 =	vnsel vm0, $0x0, v3  }
0x18: {  	(xrf2) =	vadd.scan.msk.f32 $0xffff, v0;
	_ =	sdelay $0x1  }
0x19: {  	v1 =	vnsel vm0, $0x0, v4  }
0x1a: {  	(xrf2) =	vadd.scan.msk.f32 $0xffff, v1;
	_ =	sdelay $0x1  }
0x1b: {  	s6 =	ssub.s32 $0x2, s6;
	v0, _, _ =	vpop (xrf2)  }
0x1c: {  	s7 =	sshrl.u32 s6, $0x1;
	v1, _, _ =	vpop (xrf2)  }
0x1d: {  	s7 =	ssub.s32 s6, s7;
	(v2sf) =	vpush v1, $0xF;
	v1, _, _ =	vpop (xrf2)  }
0x1e: {  	p0 =	sne.s32 s7, $0x1;
	(v2sf) =	vpush v1, $0xF  }
.Ltmp1:
0x1f: {  	(v2sf) =	vpush v0, $0xF;
	(pc) =	sbr.rel @!p0 .LBB2_3-.Ltmp1, $4  }
0x20: {  	v0, _, _ =	vpop (xrf2)  }
0x21: {  	(v2sf) =	vpush v0, $0xF  }
0x22: {  	vm3 =	vcmask $0x704;
	vm2 =	vcmask $0xB08  }
0x23: {  	vm1 =	vcmask $0xF0C;
	vm4 =	vcmask $0x1310;
	vm5 =	vcmask $0x1714;
	s6 =	simm.s32 $0x400;
	s7 =	sadd.s32 $0xFFFFFFFF, s7;
	v0, _, _ =	vpop (xrf2)  }
.LBB2_2:
0x24: {  	_ =	sdelay $0x6  }
0x25: {  	p0 =	sne.s32 s7, $0x1;
	s7 =	sadd.s32 $0xFFFFFFFF, s7  }
0x26: {  	s8 =	spop (v2sf)  }
0x27: {  	s8 =	smul.f32 $5.000000000e-01, s8;
	s9 =	spop (v2sf)  }
0x28: {  	s9 =	smul.f32 $5.000000000e-01, s9;
	s10 =	spop (v2sf)  }
0x29: {  	s11 =	ssub.f32 s10, s8  }
0x2a: {  	s8 =	sadd.f32 s8, s10;
	s10 =	spop (v2sf)  }
0x2b: {  	s11 =	smax.f32 s11, $0.0e+00;
	s12 =	ssub.f32 s10, s9  }
0x2c: {  	s8 =	smax.f32 s8, $0.0e+00;
	s11 =	smin.f32 s11, $2.000000000e+02  }
0x2d: {  	s9 =	sadd.f32 s9, s10;
	s12 =	smax.f32 s12, $0.0e+00;
	v1 =	vmov s11  }
0x2e: {  	s10 =	smin.f32 s12, $1.000000000e+02;
	v1 =	vnsel vm3, $0x0, v1  }
0x2f: {  	s8 =	smin.f32 s8, $2.000000000e+02;
	s9 =	smax.f32 s9, $0.0e+00;
	v1 =	vsel vm2, s10, v1  }
0x30: {  	v0 =	vbroadcast v0, $0xF;
	s9 =	smin.f32 s9, $1.000000000e+02;
	v1 =	vsel vm1, s8, v1  }
0x31: {  	v1 =	vsel vm4, s9, v1  }
0x32: {  	v0 =	vsel vm5, v0, v1  }
0x33: {  	[tilespmem:$0x400] =	vst v0  }
0x34: {  	[hbm4b:s2+s4] =	stream.linear.scatter [tilespmem:s6], [sflag:$0x1], $0x7, $0x38;
	[tilespmem:$0x480] =	vst v63  }
0x35: {  	_ =	swait.ge [sflag:s3], $0x7  }
0x36: {  	[sflag:s3] =	ssyncset.done $0x0  }
0x37: {  	[sflag:s3] =	ssyncadd.s32 $0xFFFFFFF9  }
0x38: {  	[tilespmem:s4], [sflag:$0x1] =	stream.linear.gather [hbm4b:s5+s4], $0x280, $0x38;
	[tilespmem:$0x480] =	vst v63  }
0x39: {  	_ =	swait.ge [sflag:s3], $0x280  }
0x3a: {  	[sflag:s3] =	ssyncset.done $0x0  }
0x3b: {  	[sflag:s3] =	ssyncadd.s32 $0xFFFFFD80  }
0x3c: {  	v0 =	vld [tilespmem:$0x0]  }
0x3d: {  	v1 =	vld [tilespmem:$0x80]  }
0x3e: {  	v2 =	vld [tilespmem:$0x180]  }
0x3f: {  	v3 =	vld [tilespmem:$0x100]  }
0x40: {  	v4 =	vld [tilespmem:$0x200]  }
0x41: {  	v0 =	vnsel vm0, $0x0, v0  }
0x42: {  	v1 =	vnsel vm0, $0x0, v1;
	(xrf2) =	vadd.scan.msk.f32 $0xffff, v0;
	_ =	sdelay $0x1  }
0x43: {  	v2 =	vnsel vm0, $0x0, v2;
	v0 =	vnsel vm0, $0x0, v3  }
0x44: {  	v3 =	vnsel vm0, $0x0, v4;
	(xrf2) =	vadd.scan.msk.f32 $0xffff, v0;
	_ =	sdelay $0x2  }
0x45: {  	(xrf2) =	vadd.scan.msk.f32 $0xffff, v2;
	_ =	sdelay $0x2  }
0x46: {  	(xrf2) =	vadd.scan.msk.f32 $0xffff, v1  }
0x47: {  	v0, _, _ =	vpop (xrf2);
	_ =	sdelay $0x1  }
0x48: {  	(xrf2) =	vadd.scan.msk.f32 $0xffff, v3  }
0x49: {  	v1, _, _ =	vpop (xrf2);
	_ =	sdelay $0x2  }
0x4a: {  	(v2sf) =	vpush v1, $0xF;
	v1, _, _ =	vpop (xrf2)  }
0x4b: {  	(v2sf) =	vpush v1, $0xF  }
.Ltmp2:
0x4c: {  	(v2sf) =	vpush v0, $0xF;
	(pc) =	sbr.rel @p0 .LBB2_2-.Ltmp2, $3  }
0x4d: {  	v0, _, _ =	vpop (xrf2)  }
0x4e: {  	(v2sf) =	vpush v0, $0xF;
	_ =	sdelay $0x1  }
0x4f: {  	v0, _, _ =	vpop (xrf2)  }
.LBB2_3:
0x50: {  	_ =	sdelay $0x7  }
0x51: {  	s5 =	spop (v2sf)  }
0x52: {  	s5 =	smul.f32 $5.000000000e-01, s5;
	s7 =	spop (v2sf)  }
0x53: {  	s8 =	spop (v2sf)  }
0x54: {  	s7 =	smul.f32 $5.000000000e-01, s7;
	s9 =	ssub.f32 s8, s5  }
0x55: {  	s10 =	spop (v2sf)  }
0x56: {  	s9 =	smax.f32 s9, $0.0e+00;
	s11 =	ssub.f32 s10, s7  }
0x57: {  	s5 =	sadd.f32 s5, s8;
	s29 =	smin.f32 s9, $2.000000000e+02  }
0x58: {  	s7 =	sadd.f32 s7, s10;
	s30 =	smax.f32 s11, $0.0e+00;
	v1 =	vmov s29  }
0x59: {  	s5 =	smax.f32 s5, $0.0e+00;
	s31 =	smin.f32 s30, $1.000000000e+02;
	v1 =	vnsel vm3, $0x0, v1  }
0x5a: {  	s5 =	smin.f32 s5, $2.000000000e+02;
	s7 =	smax.f32 s7, $0.0e+00;
	v1 =	vsel vm2, s31, v1  }
0x5b: {  	v0 =	vbroadcast v0, $0xF;
	s7 =	smin.f32 s7, $1.000000000e+02;
	v1 =	vsel vm1, s5, v1  }
0x5c: {  	v1 =	vsel vm4, s7, v1  }
0x5d: {  	v0 =	vsel vm5, v0, v1  }
0x5e: {  	[tilespmem:$0x400] =	vst v0  }
0x5f: {  	[hbm4b:s2+s4] =	stream.linear.scatter [tilespmem:s6], [sflag:$0x1], $0x7, $0x38;
	[tilespmem:$0x480] =	vst v63  }
0x60: {  	_ =	swait.ge [sflag:s3], $0x7  }
0x61: {  	[sflag:s3] =	ssyncset.done $0x0  }
0x62: {  	[sflag:s3] =	ssyncadd.s32 $0xFFFFFFF9  }
.LBB2_4:
0x63: {  	_ =	sfence.sel $0x180000  }
0x64: {  	[bflag:$0x0] =	sbarrier.arrive $0xFFFF  }
0x65: {  	p0 =	sne.s32 s0, $0x0;
	_ =	strace $0x90000047  }
0x66: {  	s0 =	sadd.s32 @!p0 $0x100000, s1;
	[bflag:$0x2] =	sbarrier.arrive $0xFFFF  }
0x67: {  	[sflag:s0] =	ssyncadd.tile.s32 @!p0 $0x1;
	_ =	shalt  }
.Lfunc_end2:
_tile_overlayer_lowered:
.L_overlay_start_2:
0x68: {  	(tag) =	ssettag $0x2  }
0x69: {  	s0 =	rddreg [dreg:$0x0];
	s2 =	stileid.u32  }
0x6a: {  	s1 =	rddreg [dreg:$0x1];
	p0 =	sne.s32 s2, $0x0  }
0x6b: {  	s3 =	rddreg [dreg:$0x2];
	[bflag:$0x3] =	sbarrier.arrive $0xFFFF;
	s2 =	simm.s32 @!p0 $0x1C02  }
0x6c: {  	[timem:s3], [sflag:s2] =	dma.local @!p0 [hbm:s0], s1  }
0x6d: {  	s0 =	simm.s32 @!p0 $0x2  }
0x6e: {  	_ =	swait.ge @!p0 [sflag:s0], s1  }
0x6f: {  	s1 =	ssub.s32 @!p0 $0x0, s1;
	[sflag:s0] =	ssyncset.done @!p0 $0x0  }
0x70: {  	[sflag:s0] =	ssyncadd.s32 @!p0 s1  }
0x71: {  	[bflag:$0x3] =	sbarrier.arrive $0xFFFF  }
0x72: {  	_ =	shalt  }

</sc_bundles>
